<compile_context>
chip_gen: v7x
topology: tpu7x:2x2x1
jax: 0.10.2.dev20260603
libtpu: 0.0.44.dev20260713+nightly
codegen_flags: <defaults>
</compile_context>

<pallas_src>
import functools

import jax
import jax.numpy as jnp
from jax import lax
from jax.experimental import pallas as pl
from jax.experimental.pallas import tpu as pltpu
from jax.experimental.pallas import tpu_sc as plsc

_NUM_WORKERS = 32
_LANES = 16
_CHUNK = 128


@functools.partial(jax.jit, static_argnames=("interpret",))
def _mg_gather(mg_embedding, var_indices, patch_idx, interpret=False):
    NV, NP, D = mg_embedding.shape
    B, V = var_indices.shape
    P = patch_idx.shape[1]
    R = B * V * P
    r_per_w = R // _NUM_WORKERS
    n_chunks = r_per_w // _CHUNK
    wpb = P // r_per_w

    table = mg_embedding.reshape(NV * NP, D)
    patch_flat = patch_idx.reshape(B * P).astype(jnp.int32)
    var_flat = var_indices.reshape(B * V).astype(jnp.int32)
    var_bcast = jnp.broadcast_to(var_flat[:, None], (B * V, _LANES))

    mesh = plsc.VectorSubcoreMesh(core_axis_name="c", subcore_axis_name="s")

    @functools.partial(
        pl.kernel,
        out_type=jax.ShapeDtypeStruct((R, D), jnp.float32),
        mesh=mesh,
        scratch_types=[
            pltpu.VMEM((_LANES,), jnp.int32),
            pltpu.VMEM((r_per_w,), jnp.int32),
            pltpu.VMEM((n_chunks, _CHUNK), jnp.int32),
            pltpu.VMEM((r_per_w, D), jnp.float32),
            pltpu.SemaphoreType.DMA,
        ],
        interpret=interpret,
    )
    def gather_kernel(table_hbm, varb_hbm, patch_hbm, out_hbm,
                      var_v, pidx_v, idx_v, rows_v, sem):
        wid = lax.axis_index("s") * 2 + lax.axis_index("c")
        bv = wid // wpb
        b = bv // V
        p_off = b * P + (wid % wpb) * r_per_w

        pltpu.sync_copy(varb_hbm.at[bv], var_v)
        pltpu.sync_copy(patch_hbm.at[pl.ds(p_off, r_per_w)], pidx_v)

        voff = var_v[...] * NP
        if True:
            return

        gathers = []
        for j in range(n_chunks):

            def idx_body(i, _, j=j):
                off = i * _LANES
                idx_v[j, pl.ds(off, _LANES)] = (
                    pidx_v[pl.ds(j * _CHUNK + off, _LANES)] + voff
                )
                return _

            lax.fori_loop(0, _CHUNK // _LANES, idx_body, 0, unroll=False)
            gathers.append(
                pltpu.async_copy(
                    table_hbm.at[idx_v.at[j]],
                    rows_v.at[pl.ds(j * _CHUNK, _CHUNK)],
                    sem,
                )
            )
        for c in gathers:
            c.wait()

        pltpu.sync_copy(rows_v, out_hbm.at[pl.ds(wid * r_per_w, r_per_w)])

    out = gather_kernel(table, var_bcast, patch_flat)
    return out.reshape(B, V, 1, P, D)


def kernel(mg_embedding, var_indices, patch_idx):
    return _mg_gather(mg_embedding, var_indices, patch_idx)

# --- scband reference (transcript-rebuilt; emitter-appended) ---
"""Pipeline reference for scband-mgembedder-32667521253917 (READ-ONLY COPY).

The authoritative reference and input builder live on the scoring server;
editing this copy changes nothing except your own understanding.
"""

import jax, jax.numpy as jnp
import numpy as np

N_VARIABLES = 4
N_POINTS = 49152  # 12 * 4**6 (healpix zoom 6)
EMBED_DIM = 128
B = 2
V = 2
P = 4096


def setup_inputs(seed: int = 0) -> dict:
    key = jax.random.key(seed)
    k1, k2, k3 = jax.random.split(key, 3)
    # learned multigrid embedding table: [n_variables, n_grid_points, embed_dim]
    mg_embedding = jax.random.normal(k1, (N_VARIABLES, N_POINTS, EMBED_DIM), dtype=jnp.float32)
    # variable indices per (batch, var) slot
    var_indices = jax.random.randint(k2, (B, V), 0, N_VARIABLES)
    # precomputed output of grid_layer.get_idx_of_patch(**sample_configs): [B, P] global point indices
    patch_idx = jax.random.randint(k3, (B, P), 0, N_POINTS)
    return {"mg_embedding": mg_embedding, "var_indices": var_indices, "patch_idx": patch_idx}


def reference(mg_embedding, var_indices, patch_idx):
    # get_embeddings_from_var_idx: embedding lookup over variable axis
    embs = mg_embedding[var_indices]  # [B, V, N_POINTS, D]
    # get_patch: idx.view(idx.shape[0], 1, -1, 1) then gather along dim=-2 with expand
    idx = patch_idx.reshape(patch_idx.shape[0], 1, -1, 1)  # [B, 1, P, 1]
    idx_full = jnp.broadcast_to(idx, (embs.shape[0], embs.shape[1], idx.shape[2], embs.shape[3]))
    embs = jnp.take_along_axis(embs, idx_full, axis=-2)  # [B, V, P, D]
    # unsqueeze(dim=2)
    embs = embs[:, :, None, :, :]  # [B, V, 1, P, D]
    return embs

if __name__ == "__main__":
    import jax
    _d = setup_inputs()
    print(jax.jit(kernel)(*tuple(_d.values())))

</pallas_src>

<mosaic_0001>
#map = affine_map<(d0, d1) -> (0, 0)>
#map1 = affine_map<(d0, d1) -> (0)>
module attributes {stable_mosaic.version = 14 : i64} {
  func.func @gather_kernel(%arg0: i32, %arg1: i32, %arg2: memref<196608x128xf32, #tpu.memory_space<hbm>>, %arg3: memref<4x16xi32, #tpu.memory_space<hbm>>, %arg4: memref<8192xi32, #tpu.memory_space<hbm>>, %arg5: memref<16384x128xf32, #tpu.memory_space<hbm>>, %arg6: memref<16xi32, #tpu.memory_space<vmem>>, %arg7: memref<512xi32, #tpu.memory_space<vmem>>, %arg8: memref<4x128xi32, #tpu.memory_space<vmem>>, %arg9: memref<512x128xf32, #tpu.memory_space<vmem>>, %arg10: memref<!tpu.dma_semaphore, #tpu.memory_space<semaphore_mem>>) attributes {dimension_semantics = [#tpu.dimension_semantics<core_parallel>, #tpu.dimension_semantics<subcore_parallel>], iteration_bounds = array<i64: 2, 16>, scalar_prefetch = 0 : i64, scratch_operands = 5 : i64, tpu.core_type = #tpu.core_type<sc_vector_subcore>, window_params = [{transform_indices = #map}, {transform_indices = #map}, {transform_indices = #map1}, {transform_indices = #map}]} {
    %mul3A = arith.constant 2 : i32
    %mul3A_0 = arith.muli %arg1, %mul3A : i32
    %add3A = arith.addi %mul3A_0, %arg0 : i32
    %jit3A = arith.constant 8 : i32
    %div3A = arith.divsi %add3A, %jit3A : i32
    %sign3A = arith.constant 0 : i32
    %sign3A_1 = arith.cmpi sgt, %add3A, %sign3A : i32
    %sign3A_2 = arith.extui %sign3A_1 : i1 to i32
    %sign3A_3 = arith.constant 0 : i32
    %sign3A_4 = arith.cmpi slt, %add3A, %sign3A_3 : i32
    %sign3A_5 = arith.extui %sign3A_4 : i1 to i32
    %sign3A_6 = arith.subi %sign3A_2, %sign3A_5 : i32
    %sign3A_7 = arith.constant 0 : i32
    %sign3A_8 = arith.cmpi sgt, %jit3A, %sign3A_7 : i32
    %sign3A_9 = arith.extui %sign3A_8 : i1 to i32
    %sign3A_10 = arith.constant 0 : i32
    %sign3A_11 = arith.cmpi slt, %jit3A, %sign3A_10 : i32
    %sign3A_12 = arith.extui %sign3A_11 : i1 to i32
    %sign3A_13 = arith.subi %sign3A_9, %sign3A_12 : i32
    %ne3A = arith.cmpi ne, %sign3A_6, %sign3A_13 : i32
    %rem3A = arith.remsi %add3A, %jit3A : i32
    %ne3A_14 = arith.constant 0 : i32
    %ne3A_15 = arith.cmpi ne, %rem3A, %ne3A_14 : i32
    %and3A = arith.andi %ne3A, %ne3A_15 : i1
    %sub3A = arith.constant 1 : i32
    %sub3A_16 = arith.subi %div3A, %sub3A : i32
    %select_n3A = arith.select %and3A, %sub3A_16, %div3A : i32
    %jit3A_17 = arith.constant 2 : i32
    %div3A_18 = arith.divsi %select_n3A, %jit3A_17 : i32
    %sign3A_19 = arith.constant 0 : i32
    %sign3A_20 = arith.cmpi sgt, %select_n3A, %sign3A_19 : i32
    %sign3A_21 = arith.extui %sign3A_20 : i1 to i32
    %sign3A_22 = arith.constant 0 : i32
    %sign3A_23 = arith.cmpi slt, %select_n3A, %sign3A_22 : i32
    %sign3A_24 = arith.extui %sign3A_23 : i1 to i32
    %sign3A_25 = arith.subi %sign3A_21, %sign3A_24 : i32
    %sign3A_26 = arith.constant 0 : i32
    %sign3A_27 = arith.cmpi sgt, %jit3A_17, %sign3A_26 : i32
    %sign3A_28 = arith.extui %sign3A_27 : i1 to i32
    %sign3A_29 = arith.constant 0 : i32
    %sign3A_30 = arith.cmpi slt, %jit3A_17, %sign3A_29 : i32
    %sign3A_31 = arith.extui %sign3A_30 : i1 to i32
    %sign3A_32 = arith.subi %sign3A_28, %sign3A_31 : i32
    %ne3A_33 = arith.cmpi ne, %sign3A_25, %sign3A_32 : i32
    %rem3A_34 = arith.remsi %select_n3A, %jit3A_17 : i32
    %ne3A_35 = arith.constant 0 : i32
    %ne3A_36 = arith.cmpi ne, %rem3A_34, %ne3A_35 : i32
    %and3A_37 = arith.andi %ne3A_33, %ne3A_36 : i1
    %sub3A_38 = arith.constant 1 : i32
    %sub3A_39 = arith.subi %div3A_18, %sub3A_38 : i32
    %select_n3A_40 = arith.select %and3A_37, %sub3A_39, %div3A_18 : i32
    %mul3A_41 = arith.constant 4096 : i32
    %mul3A_42 = arith.muli %select_n3A_40, %mul3A_41 : i32
    %jit3A_43 = arith.constant 8 : i32
    %eq3A = arith.constant 0 : i32
    %eq3A_44 = arith.cmpi eq, %jit3A_43, %eq3A : i32
    %jit3A_45 = arith.constant 1 : i32
    %select_n3A_46 = arith.select %eq3A_44, %jit3A_45, %jit3A_43 : i32
    %rem3A_47 = arith.remsi %add3A, %select_n3A_46 : i32
    %ne3A_48 = arith.constant 0 : i32
    %ne3A_49 = arith.cmpi ne, %rem3A_47, %ne3A_48 : i32
    %lt3A = arith.constant 0 : i32
    %lt3A_50 = arith.cmpi slt, %rem3A_47, %lt3A : i32
    %lt3A_51 = arith.constant 0 : i32
    %lt3A_52 = arith.cmpi slt, %select_n3A_46, %lt3A_51 : i32
    %ne3A_53 = arith.xori %lt3A_50, %lt3A_52 : i1
    %and3A_54 = arith.andi %ne3A_53, %ne3A_49 : i1
    %add3A_55 = arith.addi %rem3A_47, %select_n3A_46 : i32
    %select_n3A_56 = arith.select %and3A_54, %add3A_55, %rem3A_47 : i32
    %mul3A_57 = arith.constant 512 : i32
    %mul3A_58 = arith.muli %select_n3A_56, %mul3A_57 : i32
    %add3A_59 = arith.addi %mul3A_42, %mul3A_58 : i32
    "tpu.region"() ({
      %run_scoped3A = tpu.sem_alloc : memref<!tpu.dma_semaphore, #tpu.memory_space<semaphore_mem>>
      %dma_start3A = arith.constant 0 : i32
      %dma_start3A_65 = tpu.memref_slice %arg3[%select_n3A, %dma_start3A] : memref<4x16xi32, #tpu.memory_space<hbm>> -> memref<1x16xi32, #tpu.memory_space<hbm>>
      %dma_start3A_66 = tpu.memref_squeeze %dma_start3A_65 : memref<1x16xi32, #tpu.memory_space<hbm>> -> memref<16xi32, #tpu.memory_space<hbm>>
      %dma_start3A_67 = arith.constant 0 : i32
      %dma_start3A_68 = tpu.memref_slice %arg3[%select_n3A, %dma_start3A_67] : memref<4x16xi32, #tpu.memory_space<hbm>> -> memref<1x16xi32, #tpu.memory_space<hbm>>
      %dma_start3A_69 = tpu.memref_squeeze %dma_start3A_68 : memref<1x16xi32, #tpu.memory_space<hbm>> -> memref<16xi32, #tpu.memory_space<hbm>>
      tpu.enqueue_dma source(%dma_start3A_69 : memref<16xi32, #tpu.memory_space<hbm>>) target(%arg6 : memref<16xi32, #tpu.memory_space<vmem>>) target_semaphore(%run_scoped3A : memref<!tpu.dma_semaphore, #tpu.memory_space<semaphore_mem>>)
      %dma_wait3A = arith.constant 0 : i32
      %dma_wait3A_70 = tpu.memref_slice %arg3[%select_n3A, %dma_wait3A] : memref<4x16xi32, #tpu.memory_space<hbm>> -> memref<1x16xi32, #tpu.memory_space<hbm>>
      %dma_wait3A_71 = tpu.memref_squeeze %dma_wait3A_70 : memref<1x16xi32, #tpu.memory_space<hbm>> -> memref<16xi32, #tpu.memory_space<hbm>>
      %dma_wait3A_72 = arith.constant 0 : i32
      %dma_wait3A_73 = tpu.memref_slice %arg3[%select_n3A, %dma_wait3A_72] : memref<4x16xi32, #tpu.memory_space<hbm>> -> memref<1x16xi32, #tpu.memory_space<hbm>>
      %dma_wait3A_74 = tpu.memref_squeeze %dma_wait3A_73 : memref<1x16xi32, #tpu.memory_space<hbm>> -> memref<16xi32, #tpu.memory_space<hbm>>
      tpu.wait_dma2 semaphore(%run_scoped3A : memref<!tpu.dma_semaphore, #tpu.memory_space<semaphore_mem>>) src(%dma_wait3A_74 : memref<16xi32, #tpu.memory_space<hbm>>) dst(%arg6 : memref<16xi32, #tpu.memory_space<vmem>>)
      tpu.yield
    }) : () -> ()
    "tpu.region"() ({
      %run_scoped3A = tpu.sem_alloc : memref<!tpu.dma_semaphore, #tpu.memory_space<semaphore_mem>>
      %dma_start3A = tpu.memref_slice %arg4[%add3A_59] : memref<8192xi32, #tpu.memory_space<hbm>> -> memref<512xi32, #tpu.memory_space<hbm>>
      %dma_start3A_65 = tpu.memref_slice %arg4[%add3A_59] : memref<8192xi32, #tpu.memory_space<hbm>> -> memref<512xi32, #tpu.memory_space<hbm>>
      tpu.enqueue_dma source(%dma_start3A_65 : memref<512xi32, #tpu.memory_space<hbm>>) target(%arg7 : memref<512xi32, #tpu.memory_space<vmem>>) target_semaphore(%run_scoped3A : memref<!tpu.dma_semaphore, #tpu.memory_space<semaphore_mem>>)
      %dma_wait3A = tpu.memref_slice %arg4[%add3A_59] : memref<8192xi32, #tpu.memory_space<hbm>> -> memref<512xi32, #tpu.memory_space<hbm>>
      %dma_wait3A_66 = tpu.memref_slice %arg4[%add3A_59] : memref<8192xi32, #tpu.memory_space<hbm>> -> memref<512xi32, #tpu.memory_space<hbm>>
      tpu.wait_dma2 semaphore(%run_scoped3A : memref<!tpu.dma_semaphore, #tpu.memory_space<semaphore_mem>>) src(%dma_wait3A_66 : memref<512xi32, #tpu.memory_space<hbm>>) dst(%arg7 : memref<512xi32, #tpu.memory_space<vmem>>)
      tpu.yield
    }) : () -> ()
    %get3A = arith.constant 0 : index
    %get3A_60 = tpu.vector_load %arg6[%get3A] {strides = array<i32>} : memref<16xi32, #tpu.memory_space<vmem>>, vector<16xi32>,
    %get3A_61 = vector.shape_cast %get3A_60 : vector<16xi32> to vector<16xi32>
    %mul3A_62 = arith.constant 49152 : i32
    %mul3A_63 = vector.broadcast %mul3A_62 : i32 to vector<16xi32>
    %mul3A_64 = arith.muli %get3A_61, %mul3A_63 : vector<16xi32>
    return
  }
}

</mosaic_0001>

<sc_bundles>
// kernel: _mg_gather.3.cloned.1.call-start
scs
__scs_entry_jumppad:
0x0: {  	(pc) =	sbr.rel $0x88, $3  }
0x1: {  	(tag) =	ssettag $0x0;
	lr =	simm.s32 $0x1  }
0x2: {  	[smem:$0x3F9E] =	sst lr;
	_ =	strace $0xD0000000  }
0x3: {  	_ = 	snop  }
0x4: {  	_ = 	snop  }
0x5: {  	_ = 	snop  }
0x6: {  	_ = 	snop  }
0x7: {  	_ = 	snop  }
__scs_overlays_trampoline_lowered:
0x8: {  	[smem:$0x3FAD] =	sst s0  }
0x9: {  	[smem:$0x3FAE] =	sst s1  }
0xa: {  	[smem:$0x3FAF] =	sst s2  }
0xb: {  	[smem:$0x3FB0] =	sst s3  }
0xc: {  	[smem:$0x3FB1] =	sst s4  }
0xd: {  	[smem:$0x3FB2] =	sst s5  }
0xe: {  	[smem:$0x3FB3] =	sst s6  }
0xf: {  	[smem:$0x3FB4] =	sst s7  }
0x10: {  	[smem:$0x3FB5] =	sst s8  }
0x11: {  	[smem:$0x3FB6] =	sst s9;
	s0 =	simm.s32 @!p0 $0x0  }
0x12: {  	s1 =	sld [smem:$0x3F9C];
	s0 =	simm.s32 @p0 $0x1  }
0x13: {  	[smem:$0x3FB7] =	sst s0;
	s0 =	simm.s32 @!p1 $0x0  }
0x14: {  	s2 =	sld [smem:$0x3F9B];
	s0 =	simm.s32 @p1 $0x1  }
0x15: {  	[smem:$0x3FB8] =	sst s0;
	s0 =	simm.s32 @!p2 $0x0  }
0x16: {  	s3 =	sld [smem:$0x3FDB];
	s0 =	simm.s32 @p2 $0x1  }
0x17: {  	s4 =	simm.s32 $0x1BF5;
	[smem:$0x3FBA] =	sst s0  }
0x18: {  	s0 =	sld [smem:$0x3F9D];
	_ =	swait.ge [sflag:s4], $0x0  }
0x19: {  	s7 =	sld [smem:$0x3F9E]  }
0x1a: {  	s8 =	sadd.s32 $0xFFFFE003, lr  }
0x1b: {  	s9 =	sadd.s32 $0xFFFFFEF7, lr;
	s5 =	simm.s32 $0xFFFFFFFF;
	p2 =	slt.u32 s8, $0xFFFFF086  }
0x1c: {  	p1 =	slt.u32 s9, $0xF7A;
	s5 =	simm.s32 @!p2 $0x0  }
0x1d: {  	s5 =	simm.s32 @p1 $0x1;
	p0 =	seq.s32 s7, s2  }
0x1e: {  	s7 =	smul.u32 @!p0 $0xF7A, s2;
	p2 =	seq.s32 @!p0 s5, $0x0  }
0x1f: {  	s9 =	smul.u32 $0xF7A, s1;
	s8 =	simm.s32 @!p0 $0x1BF5;
	p2 =	por !p2, p0  }
0x20: {  	[sflag:s8] =	ssyncset.s32 @!p0 $0xFFFFF086;
	s6 =	sadd.s32 @!p0 s3, s7;
	s7 =	simm.s32 @!p0 $0x108  }
0x21: {  	s3 =	sadd.s32 s3, s9;
	s6 =	sadd.s32 @!p0 $0x88, s6;
	s7 =	simm.s32 @p2 $0x1082  }
0x22: {  	[simem:s7], [sflag:s8] =	dma.local @!p0 [hbm:s6], $0xF7A  }
0x23: {  	s9 =	sor.u32 $0xD0000000, s2;
	s6 =	simm.s32 $0x108;
	_ =	swait.ge @!p0 [sflag:s8], $0x0  }
0x24: {  	s3 =	sadd.s32 $0x88, s3;
	s6 =	simm.s32 @!p1 $0x1082;
	[sflag:s4] =	ssyncset.s32 $0xFFFFF086  }
0x25: {  	[simem:s6], [sflag:s4] =	dma.local [hbm:s3], $0xF7A  }
0x26: {  	[smem:$0x3F9E] =	sst s1;
	(tag) =	ssettag s2;
	_ =	strace s9  }
0x27: {  	s1 =	sld [smem:$0x3FAE]  }
0x28: {  	s2 =	sld [smem:$0x3FAF]  }
0x29: {  	s4 =	sld [smem:$0x3FB1]  }
0x2a: {  	p0 =	seq.s32 s5, $0x0;
	s5 =	sld [smem:$0x3FB2]  }
0x2b: {  	s6 =	sld [smem:$0x3FB3]  }
0x2c: {  	s7 =	sld [smem:$0x3FB4]  }
0x2d: {  	s3 =	simm.s32 $0x108;
	s8 =	sld [smem:$0x3FB5]  }
0x2e: {  	s3 =	simm.s32 @!p0 $0x1082;
	s9 =	sld [smem:$0x3FB6]  }
0x2f: {  	lr =	sadd.s32 s0, s3;
	s0 =	sld [smem:$0x3FAD]  }
0x30: {  	s3 =	sld [smem:$0x3FB0]  }
0x31: {  	[smem:$0x3FB9] =	sst s10  }
0x32: {  	s10 =	sld [smem:$0x3FB7];
	_ =	sdelay $0x3  }
0x33: {  	p0 =	seq.s32 s10, $0x1;
	s10 =	sld [smem:$0x3FB9];
	_ =	sdelay $0x3  }
0x34: {  	[smem:$0x3FB9] =	sst s10  }
0x35: {  	s10 =	sld [smem:$0x3FB8];
	_ =	sdelay $0x3  }
0x36: {  	p1 =	seq.s32 s10, $0x1;
	s10 =	sld [smem:$0x3FB9];
	_ =	sdelay $0x3  }
0x37: {  	[smem:$0x3FB9] =	sst s10  }
0x38: {  	s10 =	sld [smem:$0x3FBA]  }
0x39: {  	_ = 	snop;
	(pc) =	sbr.ind lr, $3  }
0x3a: {  	_ = 	snop  }
0x3b: {  	_ = 	snop  }
0x3c: {  	p2 =	seq.s32 s10, $0x1;
	s10 =	sld [smem:$0x3FB9]  }
0x3d: {  	_ =	shalt  }
0x3e: {  	_ =	shalt  }
0x3f: {  	_ =	shalt  }
0x40: {  	_ =	shalt  }
0x41: {  	_ =	shalt  }
0x42: {  	_ =	shalt  }
0x43: {  	_ =	shalt  }
0x44: {  	_ =	shalt  }
0x45: {  	_ =	shalt  }
0x46: {  	_ =	shalt  }
0x47: {  	_ =	shalt  }
0x48: {  	_ =	shalt  }
0x49: {  	_ =	shalt  }
0x4a: {  	_ =	shalt  }
0x4b: {  	_ =	shalt  }
0x4c: {  	_ =	shalt  }
0x4d: {  	_ =	shalt  }
0x4e: {  	_ =	shalt  }
0x4f: {  	_ =	shalt  }
0x50: {  	_ =	shalt  }
0x51: {  	_ =	shalt  }
0x52: {  	_ =	shalt  }
0x53: {  	_ =	shalt  }
0x54: {  	_ =	shalt  }
0x55: {  	_ =	shalt  }
0x56: {  	_ =	shalt  }
0x57: {  	_ =	shalt  }
0x58: {  	_ =	shalt  }
0x59: {  	_ =	shalt  }
0x5a: {  	_ =	shalt  }
0x5b: {  	_ =	shalt  }
0x5c: {  	_ =	shalt  }
0x5d: {  	_ =	shalt  }
0x5e: {  	_ =	shalt  }
0x5f: {  	_ =	shalt  }
0x60: {  	_ =	shalt  }
0x61: {  	_ =	shalt  }
0x62: {  	_ =	shalt  }
0x63: {  	_ =	shalt  }
0x64: {  	_ =	shalt  }
0x65: {  	_ =	shalt  }
0x66: {  	_ =	shalt  }
0x67: {  	_ =	shalt  }
0x68: {  	_ =	shalt  }
0x69: {  	_ =	shalt  }
0x6a: {  	_ =	shalt  }
0x6b: {  	_ =	shalt  }
0x6c: {  	_ =	shalt  }
0x6d: {  	_ =	shalt  }
0x6e: {  	_ =	shalt  }
0x6f: {  	_ =	shalt  }
0x70: {  	_ =	shalt  }
0x71: {  	_ =	shalt  }
0x72: {  	_ =	shalt  }
0x73: {  	_ =	shalt  }
0x74: {  	_ =	shalt  }
0x75: {  	_ =	shalt  }
0x76: {  	_ =	shalt  }
0x77: {  	_ =	shalt  }
0x78: {  	_ =	shalt  }
0x79: {  	_ =	shalt  }
0x7a: {  	_ =	shalt  }
0x7b: {  	_ =	shalt  }
0x7c: {  	_ =	shalt  }
0x7d: {  	_ =	shalt  }
0x7e: {  	_ =	shalt  }
0x7f: {  	_ =	shalt  }
0x80: {  	_ =	shalt  }
0x81: {  	_ =	shalt  }
0x82: {  	_ =	shalt  }
0x83: {  	_ =	shalt  }
0x84: {  	_ =	shalt  }
0x85: {  	_ =	shalt  }
0x86: {  	_ =	shalt  }
0x87: {  	_ =	shalt  }
.Lfunc_end0:
.L_simem_size_0:
called_computation_lowered:
.L_overlay_start_0:
0x88: {  	s2 =	sld [smem:$0x3FD9]  }
0x89: {  	s3 =	sld [smem:$0x3FFE];
	_ =	sdelay $0x1  }
0x8a: {  	s1 =	srdreg.scid  }
0x8b: {  	s0 =	sand.u32 $0x1, s1  }
0x8c: {  	s16 =	sshll.u32 s0, $0xA;
	s2 =	sadd.s32 s3, s2  }
0x8d: {  	s2 =	sadd.s32 s2, s16  }
0x8e: {  	[smem:$0x3FC5] =	sst s2  }
0x8f: {  	_ = 	snop  }
0x90: {  	(tm) =	ssettm $0x1  }
0x91: {  	s17 =	sld [smem:$0x3FFB];
	_ =	sdelay $0x3  }
0x92: {  	_ =	strace s17  }
0x93: {  	s2 =	sld [smem:$0x3FFC];
	_ =	sdelay $0x3  }
0x94: {  	_ =	strace s2  }
0x95: {  	s2 =	sld [smem:$0x3FFD];
	_ =	sdelay $0x3  }
0x96: {  	_ =	strace s2  }
0x97: {  	_ =	strace $0x8FFFFFFF  }
0x98: {  	s18 =	sld [smem:$0x3FDB];
	_ =	sdelay $0x1  }
0x99: {  	s19 =	simm.s32 $_scs_section_size  }
0x9a: {  	s4 =	simm.s32 $_size__tile_overlayer_lowered;
	s5 =	simm.s32 $_tile_overlayer_lowered  }
0x9b: {  	s22 =	simm.s32 $0x1BFF;
	s21 =	sshll.u32 s5, $0x1;
	s2 =	sadd.s32 s19, s18  }
0x9c: {  	s6 =	simm.s32 $0x0;
	s20 =	sshll.u32 s4, $0x1;
	s4 =	sadd.s32 s21, s2  }
0x9d: {  	[timem:s6], [sflag:s22] =	dma.local [hbm:s4], s20  }
0x9e: {  	_ =	swait.ge [sflag:s22], s20  }
0x9f: {  	s3 =	ssub.s32 $0x0, s20;
	[sflag:s22] =	ssyncset.done $0x0  }
0xa0: {  	[sflag:s22] =	ssyncadd.s32 s3;
	_ =	sdelay $0x1  }
0xa1: {  	s23 =	simm.s32 $0x1B8B  }
0xa2: {  	_ =	swait.ge [sflag:s23], $0x1  }
0xa3: {  	[sflag:s23] =	ssyncset.done $0x0  }
0xa4: {  	s25 =	simm.s32 $0x1B8E;
	s24 =	sld [smem:$0x3FFE];
	[sflag:s23] =	ssyncadd.s32 $0xFFFFFFFF  }
0xa5: {  	s26 =	simm.s32 $execute0_lowered;
	[smem:$0x3FD2] =	sst s25  }
0xa6: {  	s4 =	sshll.u32 s26, $0x1;
	_ =	strace $0x80000046;
	[dreg:$0x1] =	wrdreg $0xFFFFFFFF  }
0xa7: {  	s28 =	simm.s32 $_size_execute0_lowered;
	s2 =	sadd.s32 s2, s4;
	[dreg:$0x0] =	wrdreg $0x0  }
0xa8: {  	s4 =	sshll.u32 s28, $0x1;
	[dreg:$0x2] =	wrdreg s2  }
0xa9: {  	[dreg:$0x3] =	wrdreg s4  }
0xaa: {  	[dreg:$0x4] =	wrdreg $0xC0  }
0xab: {  	_ =	task [dreg:s6], $0x5FFFF  }
0xac: {  	[dreg:$0x1] =	wrdreg $0xFFFFFFFF  }
0xad: {  	[dreg:$0x0] =	wrdreg $0x60  }
0xae: {  	[dreg:$0x2] =	wrdreg s24  }
0xaf: {  	[dreg:$0x3] =	wrdreg $0x9  }
0xb0: {  	_ =	task.clear_ibuf [dreg:s6], $0x4FFFF;
	_ =	strace $0x90000046  }
0xb1: {  	s29 =	simm.s32 $0x9;
	_ =	strace $0x80000048  }
0xb2: {  	_ =	swait.ge [sflag:s29], $0x1  }
0xb3: {  	[sflag:s29] =	ssyncadd.s32 $0xFFFFFFFF  }
0xb4: {  	_ =	strace $0x90000048  }
0xb5: {  	_ =	sfence  }
0xb6: {  	s30 =	sld [smem:$0x0];
	_ =	sdelay $0x2  }
0xb7: {  	s31 =	sshll.u32 s1, $0xD;
	s1 =	sshrl.u32 s1, $0x2  }
0xb8: {  	s3 =	sand.u32 $0x4000, s31;
	s1 =	sadd.s32 s1, s30  }
0xb9: {  	s0 =	sor.u32 s3, s0;
	s1 =	sshll.u32 s1, $0x11  }
0xba: {  	s0 =	sor.u32 s1, s0  }
0xbb: {  	s0 =	sadd.s32 $0x8F2B, s0  }
0xbc: {  	[sflag:s0] =	ssyncadd.remote.s32 $0x1  }
0xbd: {  	_ =	sfence.sel $0xFFFF  }
0xbe: {  	[dreg:$0x0] =	wrdreg $0xFFFFFFFF;
	(pc) =	sbr.abs _section_cstart, $3  }
0xbf: {  	[dreg:$0x1] =	wrdreg $0xFFFFFFFF  }
0xc0: {  	_ =	task.clear_ibuf [dreg:s6], $0x2FFFF;
	_ =	strace $0x9FFFFFFF  }
0xc1: {  	(tm) =	ssettm $0x7FFFFFFF  }
tec
execute0_lowered:
.L_overlay_start_1:
0x0: {  	(tag) =	ssettag $0x1  }
0x1: {  	s5 =	rddreg [dreg:$0x0];
	s1 =	stileid.u32  }
0x2: {  	s0 =	rddreg [dreg:$0x1];
	s2 =	simm.s32 $0x0;
	s4 =	srdreg.scid  }
0x3: {  	s3 =	sshll.u32 s1, $0x1;
	s6 =	sand.u32 $0x8, s1;
	s7 =	sshll.u32 s1, $0x2  }
0x4: {  	s4 =	sand.u32 $0x1, s4;
	[smem:$0x7FF] =	sst s2;
	s3 =	sand.u32 $0x6, s3  }
0x5: {  	s28 =	sand.u32 $0x30, s7;
	_ =	strace $0x80000047;
	s8 =	ssub.s32 $0x2, s4  }
0x6: {  	s3 =	sor.u32 s3, s6;
	s6 =	sadd.s32 s28, s5;
	s30 =	sshrl.u32 s8, $0x1  }
0x7: {  	s3 =	sor.u32 s4, s3;
	s4 =	sadd.s32 $0x800, s6;
	s6 =	ssub.s32 s8, s30  }
0x8: {  	[tilespmem:s2], [sflag:$0x1] =	stream.linear.gather [hbm4b:s4+s2], $0x80, $0x38;
	[tilespmem:$0x280] =	vst v63  }
0x9: {  	s29 =	sshll.u32 s3, $0x6;
	s3 =	simm.s32 $0x1;
	s31 =	smax.u32 s6, $0x1  }
0xa: {  	_ =	swait.ge [sflag:s3], $0x80;
	p0 =	sne.s32 s31, $0x1  }
.Ltmp0:
0xb: {  	s5 =	sadd.s32 s29, s5;
	[sflag:s3] =	ssyncset.done $0x0;
	(pc) =	sbr.rel @!p0 .LBB2_2-.Ltmp0, $4  }
0xc: {  	s6 =	simm.s32 $0x80;
	s5 =	sadd.s32 $0x400, s5;
	[sflag:s3] =	ssyncadd.s32 $0xFFFFFF80  }
0xd: {  	[tilespmem:s6], [sflag:$0x1] =	stream.linear.gather [hbm4b:s5+s2], $0x200, $0x38;
	[tilespmem:$0x280] =	vst v63  }
0xe: {  	_ =	swait.ge [sflag:s3], $0x200  }
0xf: {  	s7 =	sadd.s32 $0xFFFFFFFF, s31;
	[sflag:s3] =	ssyncset.done $0x0  }
.LBB2_1:
0x10: {  	p0 =	sne.s32 s7, $0x1;
	s7 =	sadd.s32 $0xFFFFFFFF, s7;
	[sflag:s3] =	ssyncadd.s32 $0xFFFFFE00  }
0x11: {  	[tilespmem:s2], [sflag:$0x1] =	stream.linear.gather [hbm4b:s4+s2], $0x80, $0x38;
	[tilespmem:$0x280] =	vst v63  }
0x12: {  	_ =	swait.ge [sflag:s3], $0x80  }
.Ltmp1:
0x13: {  	[sflag:s3] =	ssyncset.done $0x0;
	(pc) =	sbr.rel @p0 .LBB2_1-.Ltmp1, $4  }
0x14: {  	[sflag:s3] =	ssyncadd.s32 $0xFFFFFF80  }
0x15: {  	[tilespmem:s6], [sflag:$0x1] =	stream.linear.gather [hbm4b:s5+s2], $0x200, $0x38;
	[tilespmem:$0x280] =	vst v63  }
0x16: {  	_ =	swait.ge [sflag:s3], $0x200  }
0x17: {  	[sflag:s3] =	ssyncset.done $0x0  }
.LBB2_2:
0x18: {  	[sflag:s3] =	ssyncadd.s32 $0xFFFFFE00  }
0x19: {  	_ =	sfence.sel $0x180000  }
0x1a: {  	[bflag:$0x0] =	sbarrier.arrive $0xFFFF  }
0x1b: {  	p0 =	sne.s32 s1, $0x0;
	_ =	strace $0x90000047  }
0x1c: {  	s0 =	sadd.s32 @!p0 $0x100000, s0;
	[bflag:$0x2] =	sbarrier.arrive $0xFFFF  }
0x1d: {  	[sflag:s0] =	ssyncadd.tile.s32 @!p0 $0x1;
	_ =	shalt  }
.Lfunc_end2:
_tile_overlayer_lowered:
.L_overlay_start_2:
0x1e: {  	(tag) =	ssettag $0x2  }
0x1f: {  	s0 =	rddreg [dreg:$0x0];
	s2 =	stileid.u32  }
0x20: {  	s1 =	rddreg [dreg:$0x1];
	p0 =	sne.s32 s2, $0x0  }
0x21: {  	s3 =	rddreg [dreg:$0x2];
	[bflag:$0x3] =	sbarrier.arrive $0xFFFF;
	s2 =	simm.s32 @!p0 $0x1C01  }
0x22: {  	[timem:s3], [sflag:s2] =	dma.local @!p0 [hbm:s0], s1  }
0x23: {  	s0 =	simm.s32 @!p0 $0x1  }
0x24: {  	_ =	swait.ge @!p0 [sflag:s0], s1  }
0x25: {  	s1 =	ssub.s32 @!p0 $0x0, s1;
	[sflag:s0] =	ssyncset.done @!p0 $0x0  }
0x26: {  	[sflag:s0] =	ssyncadd.s32 @!p0 s1  }
0x27: {  	[bflag:$0x3] =	sbarrier.arrive $0xFFFF  }
0x28: {  	_ =	shalt  }

</sc_bundles>
